<compile_context>
chip_gen: v7x
topology: tpu7x:2x2x1
jax: 0.10.2.dev20260603
libtpu: 0.0.44.dev20260713+nightly
codegen_flags: <defaults>
</compile_context>

<pallas_src>
import functools

import jax
import jax.numpy as jnp
from jax import lax
from jax.experimental import pallas as pl
from jax.experimental.pallas import tpu as pltpu
from jax.experimental.pallas import tpu_sc as plsc

N = 16384
D = 32
K = 8192
BZ = 512
NB = N // BZ
_COMMIT = 0.25



def _round_f32_to_bf16(x):
    u = lax.bitcast_convert_type(x, jnp.int32)
    r = (u + jnp.int32(0x7FFF) + ((u >> 16) & jnp.int32(1))) & jnp.int32(-65536)
    return lax.bitcast_convert_type(r, jnp.float32)


def _tc_body(z2_ref, embt_ref, idx_ref, loss_ref):
    z2 = z2_ref[...]
    embt = embt_ref[...]
    s2 = jnp.dot(z2, embt, preferred_element_type=jnp.float32)
    e_sq = jnp.sum(embt * embt, axis=0, keepdims=True)
    z_sq = 0.25 * jnp.sum(z2 * z2, axis=1, keepdims=True)
    dist = (z_sq + s2) + e_sq
    H = K // 2
    d1 = dist[:, :H]
    d2 = dist[:, H:]
    m1 = jnp.min(d1, axis=1, keepdims=True)
    m2 = jnp.min(d2, axis=1, keepdims=True)
    col = lax.broadcasted_iota(jnp.int32, (BZ, H), 1).astype(jnp.float32)
    fH = jnp.float32(H)
    i1 = jnp.min(jnp.where(d1 == m1, col, fH), axis=1)
    i2 = jnp.min(jnp.where(d2 == m2, col, fH), axis=1) + fH
    take2 = m2[:, 0] < _round_f32_to_bf16(m1)[:, 0]
    idx = jnp.where(take2, i2, i1)
    idx_ref[0, 0, :] = idx.astype(jnp.int32)
    mch = jnp.where(take2, m2[:, 0], m1[:, 0])
    loss_ref[0, 0, 0] = jnp.sum(mch)


def _tc_argmin(z_flat, emb_t):
    idx3, loss = pl.pallas_call(
        _tc_body,
        grid=(NB,),
        in_specs=[
            pl.BlockSpec((BZ, D), lambda i: (i, 0)),
            pl.BlockSpec((D, K), lambda i: (0, 0)),
        ],
        out_specs=[
            pl.BlockSpec((1, 1, BZ), lambda i: (i, 0, 0)),
            pl.BlockSpec((1, 1, 1), lambda i: (i, 0, 0), memory_space=pltpu.SMEM),
        ],
        out_shape=[
            jax.ShapeDtypeStruct((NB, 1, BZ), jnp.int32),
            jax.ShapeDtypeStruct((NB, 1, 1), jnp.float32),
        ],
        compiler_params=pltpu.CompilerParams(
            dimension_semantics=("parallel",),
        ),
    )(z_flat, emb_t)
    return idx3.reshape(N), jnp.sum(loss) * (_COMMIT / (N * D))



_NC, _NS, _L = 2, 16, 16
_NW = _NC * _NS
_PER_W = N // _NW
_CH = 128
_NCH = _PER_W // _CH
_U_PER = N // _NS
_U_NCH = _U_PER // _CH
_SEG = K // _NS


def _sc_run(emb, indices):
    mesh = plsc.VectorSubcoreMesh(core_axis_name="c", subcore_axis_name="s")

    @functools.partial(
        pl.kernel,
        mesh=mesh,
        compiler_params=pltpu.CompilerParams(use_tc_tiling_on_sc=False),
        out_type=[
            jax.ShapeDtypeStruct((N, D), jnp.float32),
            jax.ShapeDtypeStruct((K,), jnp.float32),
        ],
        scratch_types=[
            pltpu.VMEM((_CH,), jnp.int32),
            pltpu.VMEM((_CH, D), jnp.float32),
            pltpu.VMEM((_CH,), jnp.float32),
            pltpu.VMEM((_SEG,), jnp.float32),
            pltpu.VMEM_SHARED((K,), jnp.float32),
            pltpu.SemaphoreType.DMA,
        ],
    )
    def sc_kernel(emb_hbm, idx_hbm, zq_hbm, usage_hbm,
                  idx_v, rows_v, ones_v, zeros_v, usage_sh, sem):
        c = lax.axis_index("c")
        s = lax.axis_index("s")
        wid = s * _NC + c

        @pl.when(c == 0)
        def _():
            def zbody(i, _):
                zeros_v[pl.ds(i * _L, _L)] = jnp.zeros((_L,), jnp.float32)
                return 0
            lax.fori_loop(0, _SEG // _L, zbody, 0)

            def obody(i, _):
                ones_v[pl.ds(i * _L, _L)] = jnp.ones((_L,), jnp.float32)
                return 0
            lax.fori_loop(0, _CH // _L, obody, 0)
            pltpu.sync_copy(zeros_v, usage_sh.at[pl.ds(s * _SEG, _SEG)])

        plsc.subcore_barrier()

        base = wid * _PER_W

        def gbody(j, _):
            off = base + j * _CH
            pltpu.sync_copy(idx_hbm.at[pl.ds(off, _CH)], idx_v)
            pltpu.async_copy(emb_hbm.at[idx_v], rows_v, sem).wait()
            pltpu.sync_copy(rows_v, zq_hbm.at[pl.ds(off, _CH)])
            return 0

        lax.fori_loop(0, _NCH, gbody, 0)

        @pl.when(c == 0)
        def _():
            ubase = s * _U_PER

            def ubody(j, _):
                pltpu.sync_copy(idx_hbm.at[pl.ds(ubase + j * _CH, _CH)], idx_v)
                pltpu.sync_copy(ones_v, usage_sh.at[idx_v], add=True)
                return 0

            lax.fori_loop(0, _U_NCH, ubody, 0)

        plsc.subcore_barrier()

        @pl.when(c == 0)
        def _():
            pltpu.sync_copy(usage_sh.at[pl.ds(s * _SEG, _SEG)],
                            usage_hbm.at[pl.ds(s * _SEG, _SEG)])

    return sc_kernel(emb, indices)



def kernel(z_flat, embeddings):
    emb_t = embeddings.T
    indices, loss = _tc_argmin(z_flat * -2.0, emb_t)
    z_q, usage = _sc_run(embeddings, indices)
    return (z_q, indices, loss, usage)

# --- scband reference (transcript-rebuilt; emitter-appended) ---
"""Pipeline reference for scband-vqcodebook-83227876262438 (READ-ONLY COPY).

The authoritative reference and input builder live on the scoring server;
editing this copy changes nothing except your own understanding.
"""

import jax, jax.numpy as jnp
import numpy as np

NUM_EMBEDDINGS = 8192
EMBEDDING_DIM = 32
COMMITMENT_COST = 0.25

def setup_inputs(seed: int = 0) -> dict:
    key = jax.random.key(seed)
    k1, k2 = jax.random.split(key)
    z_flat = jax.random.normal(k1, (16384, EMBEDDING_DIM), dtype=jnp.float32)
    emb = jax.random.normal(k2, (NUM_EMBEDDINGS, EMBEDDING_DIM), dtype=jnp.float32)
    # __init__ normalizes the codebook rows
    emb = emb / jnp.linalg.norm(emb, axis=-1, keepdims=True)
    return {"z_flat": z_flat, "embeddings": emb}

def reference(z_flat, embeddings):
    # dist[i,j] = ||z_i||^2 - 2 z_i . e_j + ||e_j||^2
    dist = (jnp.sum(z_flat ** 2, axis=1, keepdims=True)
            - 2.0 * (z_flat @ embeddings.T)
            + jnp.sum(embeddings ** 2, axis=1))
    indices = jnp.argmin(dist, axis=1)
    z_q = jnp.take(embeddings, indices, axis=0)
    # eval mode: no EMA update. Commitment loss with detached z_q.
    loss = COMMITMENT_COST * jnp.mean((jax.lax.stop_gradient(z_q) - z_flat) ** 2)
    # straight-through estimator
    z_q_st = z_flat + jax.lax.stop_gradient(z_q - z_flat)
    # usage counter side-effect (scatter-add), returned for fidelity of the op
    usage = jnp.zeros((NUM_EMBEDDINGS,), dtype=jnp.float32).at[indices].add(1.0)
    return (z_q_st, indices, loss, usage)

if __name__ == "__main__":
    import jax
    _d = setup_inputs()
    print(jax.jit(kernel)(*tuple(_d.values())))

</pallas_src>

<mosaic_0001>
#map = affine_map<(d0, d1) -> (0, 0)>
#map1 = affine_map<(d0, d1) -> (0)>
module attributes {stable_mosaic.version = 14 : i64} {
  func.func @sc_kernel(%arg0: i32, %arg1: i32, %arg2: memref<8192x32xf32, #tpu.memory_space<hbm>>, %arg3: memref<16384xi32, #tpu.memory_space<hbm>>, %arg4: memref<16384x32xf32, #tpu.memory_space<hbm>>, %arg5: memref<8192xf32, #tpu.memory_space<hbm>>, %arg6: memref<128xi32, #tpu.memory_space<vmem>>, %arg7: memref<128x32xf32, #tpu.memory_space<vmem>>, %arg8: memref<128xf32, #tpu.memory_space<vmem>>, %arg9: memref<512xf32, #tpu.memory_space<vmem>>, %arg10: memref<8192xf32, #tpu.memory_space<vmem_shared>>, %arg11: memref<!tpu.dma_semaphore, #tpu.memory_space<semaphore_mem>>) attributes {dimension_semantics = [#tpu.dimension_semantics<core_parallel>, #tpu.dimension_semantics<subcore_parallel>], iteration_bounds = array<i64: 2, 16>, scalar_prefetch = 0 : i64, scratch_operands = 6 : i64, tpu.core_type = #tpu.core_type<sc_vector_subcore>, window_params = [{transform_indices = #map}, {transform_indices = #map1}, {transform_indices = #map}, {transform_indices = #map1}]} {
    %mul3A = arith.constant 2 : i32
    %mul3A_0 = arith.muli %arg1, %mul3A : i32
    %add3A = arith.addi %mul3A_0, %arg0 : i32
    %eq3A = arith.constant 0 : i32
    %eq3A_1 = arith.cmpi eq, %arg0, %eq3A : i32
    %convert_element_type3A = arith.extui %eq3A_1 : i1 to i32
    %cond3A = arith.constant 0 : i32
    %cond3A_2 = arith.cmpi ne, %convert_element_type3A, %cond3A : i32
    scf.if %cond3A_2 {
      %scan3A_22 = arith.constant 0 : i32
      %scan3A_23 = arith.constant 0 : i32
      %scan3A_24 = arith.constant 32 : i32
      %scan3A_25 = arith.addi %scan3A_23, %scan3A_24 : i32
      %scan3A_26 = arith.constant 1 : i32
      %scan3A_27 = scf.for %scan3A_38 = %scan3A_23 to %scan3A_25 step %scan3A_26 iter_args(%scan3A_39 = %scan3A_22) -> (i32)  : i32 {
        %broadcast_in_dim3A = arith.constant 0.000000e+00 : f32
        %broadcast_in_dim3A_40 = vector.broadcast %broadcast_in_dim3A : f32 to vector<16xf32>
        %mul3A_41 = arith.constant 16 : i32
        %mul3A_42 = arith.muli %scan3A_38, %mul3A_41 : i32
        %swap3A = arith.index_cast %mul3A_42 : i32 to index
        %swap3A_43 = tpu.vector_load %arg9[%swap3A] {strides = array<i32>} : memref<512xf32, #tpu.memory_space<vmem>>, vector<16xf32>,
        %swap3A_44 = vector.shape_cast %swap3A_43 : vector<16xf32> to vector<16xf32>
        %swap3A_45 = vector.shape_cast %broadcast_in_dim3A_40 : vector<16xf32> to vector<16xf32>
        tpu.vector_store %arg9[%swap3A], %swap3A_45 {strides = array<i32>} : memref<512xf32, #tpu.memory_space<vmem>>, vector<16xf32>,
        %scan3A_46 = arith.constant 0 : i32
        scf.yield %scan3A_46 : i32
      }
      %scan3A_28 = arith.constant 32 : i32
      %scan3A_29 = arith.constant 0 : i32
      %scan3A_30 = arith.constant 0 : i32
      %scan3A_31 = arith.constant 8 : i32
      %scan3A_32 = arith.addi %scan3A_30, %scan3A_31 : i32
      %scan3A_33 = arith.constant 1 : i32
      %scan3A_34 = scf.for %scan3A_38 = %scan3A_30 to %scan3A_32 step %scan3A_33 iter_args(%scan3A_39 = %scan3A_29) -> (i32)  : i32 {
        %broadcast_in_dim3A = arith.constant 1.000000e+00 : f32
        %broadcast_in_dim3A_40 = vector.broadcast %broadcast_in_dim3A : f32 to vector<16xf32>
        %mul3A_41 = arith.constant 16 : i32
        %mul3A_42 = arith.muli %scan3A_38, %mul3A_41 : i32
        %swap3A = arith.index_cast %mul3A_42 : i32 to index
        %swap3A_43 = tpu.vector_load %arg8[%swap3A] {strides = array<i32>} : memref<128xf32, #tpu.memory_space<vmem>>, vector<16xf32>,
        %swap3A_44 = vector.shape_cast %swap3A_43 : vector<16xf32> to vector<16xf32>
        %swap3A_45 = vector.shape_cast %broadcast_in_dim3A_40 : vector<16xf32> to vector<16xf32>
        tpu.vector_store %arg8[%swap3A], %swap3A_45 {strides = array<i32>} : memref<128xf32, #tpu.memory_space<vmem>>, vector<16xf32>,
        %scan3A_46 = arith.constant 0 : i32
        scf.yield %scan3A_46 : i32
      }
      %scan3A_35 = arith.constant 8 : i32
      %mul3A_36 = arith.constant 512 : i32
      %mul3A_37 = arith.muli %arg1, %mul3A_36 : i32
      "tpu.region"() ({
        %run_scoped3A = tpu.sem_alloc : memref<!tpu.dma_semaphore, #tpu.memory_space<semaphore_mem>>
        %dma_start3A = tpu.memref_slice %arg10[%mul3A_37] : memref<8192xf32, #tpu.memory_space<vmem_shared>> -> memref<512xf32, #tpu.memory_space<vmem_shared>>
        %dma_start3A_38 = tpu.memref_slice %arg10[%mul3A_37] : memref<8192xf32, #tpu.memory_space<vmem_shared>> -> memref<512xf32, #tpu.memory_space<vmem_shared>>
        tpu.enqueue_dma source(%arg9 : memref<512xf32, #tpu.memory_space<vmem>>) target(%dma_start3A_38 : memref<512xf32, #tpu.memory_space<vmem_shared>>) target_semaphore(%run_scoped3A : memref<!tpu.dma_semaphore, #tpu.memory_space<semaphore_mem>>)
        %dma_wait3A = tpu.memref_slice %arg10[%mul3A_37] : memref<8192xf32, #tpu.memory_space<vmem_shared>> -> memref<512xf32, #tpu.memory_space<vmem_shared>>
        %dma_wait3A_39 = tpu.memref_slice %arg10[%mul3A_37] : memref<8192xf32, #tpu.memory_space<vmem_shared>> -> memref<512xf32, #tpu.memory_space<vmem_shared>>
        tpu.wait_dma2 semaphore(%run_scoped3A : memref<!tpu.dma_semaphore, #tpu.memory_space<semaphore_mem>>) src(%arg9 : memref<512xf32, #tpu.memory_space<vmem>>) dst(%dma_wait3A_39 : memref<512xf32, #tpu.memory_space<vmem_shared>>)
        tpu.yield
      }) : () -> ()
    } else {
    }
    %barrier3A = arith.constant 0 : index
    tpu.barrier barrier_id(%barrier3A)
    %mul3A_3 = arith.constant 512 : i32
    %mul3A_4 = arith.muli %add3A, %mul3A_3 : i32
    %scan3A = arith.constant 0 : i32
    %scan3A_5 = arith.constant 0 : i32
    %scan3A_6 = arith.constant 4 : i32
    %scan3A_7 = arith.addi %scan3A_5, %scan3A_6 : i32
    %scan3A_8 = arith.constant 1 : i32
    %scan3A_9 = scf.for %scan3A_22 = %scan3A_5 to %scan3A_7 step %scan3A_8 iter_args(%scan3A_23 = %scan3A) -> (i32)  : i32 {
      %mul3A_24 = arith.constant 128 : i32
      %mul3A_25 = arith.muli %scan3A_22, %mul3A_24 : i32
      %add3A_26 = arith.addi %mul3A_4, %mul3A_25 : i32
      "tpu.region"() ({
        %run_scoped3A = tpu.sem_alloc : memref<!tpu.dma_semaphore, #tpu.memory_space<semaphore_mem>>
        %dma_start3A_32 = tpu.memref_slice %arg3[%add3A_26] : memref<16384xi32, #tpu.memory_space<hbm>> -> memref<128xi32, #tpu.memory_space<hbm>>
        %dma_start3A_33 = tpu.memref_slice %arg3[%add3A_26] : memref<16384xi32, #tpu.memory_space<hbm>> -> memref<128xi32, #tpu.memory_space<hbm>>
        tpu.enqueue_dma source(%dma_start3A_33 : memref<128xi32, #tpu.memory_space<hbm>>) target(%arg6 : memref<128xi32, #tpu.memory_space<vmem>>) target_semaphore(%run_scoped3A : memref<!tpu.dma_semaphore, #tpu.memory_space<semaphore_mem>>)
        %dma_wait3A_34 = tpu.memref_slice %arg3[%add3A_26] : memref<16384xi32, #tpu.memory_space<hbm>> -> memref<128xi32, #tpu.memory_space<hbm>>
        %dma_wait3A_35 = tpu.memref_slice %arg3[%add3A_26] : memref<16384xi32, #tpu.memory_space<hbm>> -> memref<128xi32, #tpu.memory_space<hbm>>
        tpu.wait_dma2 semaphore(%run_scoped3A : memref<!tpu.dma_semaphore, #tpu.memory_space<semaphore_mem>>) src(%dma_wait3A_35 : memref<128xi32, #tpu.memory_space<hbm>>) dst(%arg6 : memref<128xi32, #tpu.memory_space<vmem>>)
        tpu.yield
      }) : () -> ()
      %dma_start3A = arith.constant 0 : i32
      %dma_start3A_27 = arith.constant 0 : i32
      %dma_start3A_28 = tpu.memref_slice %arg2[%dma_start3A, %dma_start3A_27] : memref<8192x32xf32, #tpu.memory_space<hbm>> -> memref<8192x32xf32, #tpu.memory_space<hbm>>
      tpu.enqueue_indirect_dma source(%dma_start3A_28 : memref<8192x32xf32, #tpu.memory_space<hbm>>) target(%arg7 : memref<128x32xf32, #tpu.memory_space<vmem>>) offsets(%arg6 : memref<128xi32, #tpu.memory_space<vmem>>) semaphore(%arg11 : memref<!tpu.dma_semaphore, #tpu.memory_space<semaphore_mem>>)
      %dma_wait3A = arith.constant 0 : i32
      %dma_wait3A_29 = arith.constant 0 : i32
      %dma_wait3A_30 = tpu.memref_slice %arg2[%dma_wait3A, %dma_wait3A_29] : memref<8192x32xf32, #tpu.memory_space<hbm>> -> memref<8192x32xf32, #tpu.memory_space<hbm>>
      tpu.wait_indirect_dma semaphore(%arg11 : memref<!tpu.dma_semaphore, #tpu.memory_space<semaphore_mem>>) src(%dma_wait3A_30 : memref<8192x32xf32, #tpu.memory_space<hbm>>) dst(%arg7 : memref<128x32xf32, #tpu.memory_space<vmem>>)
      "tpu.region"() ({
        %run_scoped3A = tpu.sem_alloc : memref<!tpu.dma_semaphore, #tpu.memory_space<semaphore_mem>>
        %dma_start3A_32 = arith.constant 0 : i32
        %dma_start3A_33 = tpu.memref_slice %arg4[%add3A_26, %dma_start3A_32] : memref<16384x32xf32, #tpu.memory_space<hbm>> -> memref<128x32xf32, #tpu.memory_space<hbm>>
        %dma_start3A_34 = arith.constant 0 : i32
        %dma_start3A_35 = tpu.memref_slice %arg4[%add3A_26, %dma_start3A_34] : memref<16384x32xf32, #tpu.memory_space<hbm>> -> memref<128x32xf32, #tpu.memory_space<hbm>>
        tpu.enqueue_dma source(%arg7 : memref<128x32xf32, #tpu.memory_space<vmem>>) target(%dma_start3A_35 : memref<128x32xf32, #tpu.memory_space<hbm>>) target_semaphore(%run_scoped3A : memref<!tpu.dma_semaphore, #tpu.memory_space<semaphore_mem>>)
        %dma_wait3A_36 = arith.constant 0 : i32
        %dma_wait3A_37 = tpu.memref_slice %arg4[%add3A_26, %dma_wait3A_36] : memref<16384x32xf32, #tpu.memory_space<hbm>> -> memref<128x32xf32, #tpu.memory_space<hbm>>
        %dma_wait3A_38 = arith.constant 0 : i32
        %dma_wait3A_39 = tpu.memref_slice %arg4[%add3A_26, %dma_wait3A_38] : memref<16384x32xf32, #tpu.memory_space<hbm>> -> memref<128x32xf32, #tpu.memory_space<hbm>>
        tpu.wait_dma2 semaphore(%run_scoped3A : memref<!tpu.dma_semaphore, #tpu.memory_space<semaphore_mem>>) src(%arg7 : memref<128x32xf32, #tpu.memory_space<vmem>>) dst(%dma_wait3A_39 : memref<128x32xf32, #tpu.memory_space<hbm>>)
        tpu.yield
      }) : () -> ()
      %scan3A_31 = arith.constant 0 : i32
      scf.yield %scan3A_31 : i32
    }
    %scan3A_10 = arith.constant 4 : i32
    %eq3A_11 = arith.constant 0 : i32
    %eq3A_12 = arith.cmpi eq, %arg0, %eq3A_11 : i32
    %convert_element_type3A_13 = arith.extui %eq3A_12 : i1 to i32
    %cond3A_14 = arith.constant 0 : i32
    %cond3A_15 = arith.cmpi ne, %convert_element_type3A_13, %cond3A_14 : i32
    scf.if %cond3A_15 {
      %mul3A_22 = arith.constant 1024 : i32
      %mul3A_23 = arith.muli %arg1, %mul3A_22 : i32
      %scan3A_24 = arith.constant 0 : i32
      %scan3A_25 = arith.constant 0 : i32
      %scan3A_26 = arith.constant 8 : i32
      %scan3A_27 = arith.addi %scan3A_25, %scan3A_26 : i32
      %scan3A_28 = arith.constant 1 : i32
      %scan3A_29 = scf.for %scan3A_31 = %scan3A_25 to %scan3A_27 step %scan3A_28 iter_args(%scan3A_32 = %scan3A_24) -> (i32)  : i32 {
        %mul3A_33 = arith.constant 128 : i32
        %mul3A_34 = arith.muli %scan3A_31, %mul3A_33 : i32
        %add3A_35 = arith.addi %mul3A_23, %mul3A_34 : i32
        "tpu.region"() ({
          %run_scoped3A = tpu.sem_alloc : memref<!tpu.dma_semaphore, #tpu.memory_space<semaphore_mem>>
          %dma_start3A = tpu.memref_slice %arg3[%add3A_35] : memref<16384xi32, #tpu.memory_space<hbm>> -> memref<128xi32, #tpu.memory_space<hbm>>
          %dma_start3A_37 = tpu.memref_slice %arg3[%add3A_35] : memref<16384xi32, #tpu.memory_space<hbm>> -> memref<128xi32, #tpu.memory_space<hbm>>
          tpu.enqueue_dma source(%dma_start3A_37 : memref<128xi32, #tpu.memory_space<hbm>>) target(%arg6 : memref<128xi32, #tpu.memory_space<vmem>>) target_semaphore(%run_scoped3A : memref<!tpu.dma_semaphore, #tpu.memory_space<semaphore_mem>>)
          %dma_wait3A = tpu.memref_slice %arg3[%add3A_35] : memref<16384xi32, #tpu.memory_space<hbm>> -> memref<128xi32, #tpu.memory_space<hbm>>
          %dma_wait3A_38 = tpu.memref_slice %arg3[%add3A_35] : memref<16384xi32, #tpu.memory_space<hbm>> -> memref<128xi32, #tpu.memory_space<hbm>>
          tpu.wait_dma2 semaphore(%run_scoped3A : memref<!tpu.dma_semaphore, #tpu.memory_space<semaphore_mem>>) src(%dma_wait3A_38 : memref<128xi32, #tpu.memory_space<hbm>>) dst(%arg6 : memref<128xi32, #tpu.memory_space<vmem>>)
          tpu.yield
        }) : () -> ()
        "tpu.region"() ({
          %run_scoped3A = tpu.sem_alloc : memref<!tpu.dma_semaphore, #tpu.memory_space<semaphore_mem>>
          %dma_start3A = arith.constant 0 : i32
          %dma_start3A_37 = tpu.memref_slice %arg10[%dma_start3A] : memref<8192xf32, #tpu.memory_space<vmem_shared>> -> memref<8192xf32, #tpu.memory_space<vmem_shared>>
          tpu.enqueue_indirect_dma source(%arg8 : memref<128xf32, #tpu.memory_space<vmem>>) target(%dma_start3A_37 : memref<8192xf32, #tpu.memory_space<vmem_shared>>) offsets(%arg6 : memref<128xi32, #tpu.memory_space<vmem>>) semaphore(%run_scoped3A : memref<!tpu.dma_semaphore, #tpu.memory_space<semaphore_mem>>) {add = true}
          %dma_wait3A = arith.constant 0 : i32
          %dma_wait3A_38 = tpu.memref_slice %arg10[%dma_wait3A] : memref<8192xf32, #tpu.memory_space<vmem_shared>> -> memref<8192xf32, #tpu.memory_space<vmem_shared>>
          tpu.wait_indirect_dma semaphore(%run_scoped3A : memref<!tpu.dma_semaphore, #tpu.memory_space<semaphore_mem>>) src(%arg8 : memref<128xf32, #tpu.memory_space<vmem>>) dst(%dma_wait3A_38 : memref<8192xf32, #tpu.memory_space<vmem_shared>>)
          tpu.yield
        }) : () -> ()
        %scan3A_36 = arith.constant 0 : i32
        scf.yield %scan3A_36 : i32
      }
      %scan3A_30 = arith.constant 8 : i32
    } else {
    }
    %barrier3A_16 = arith.constant 0 : index
    tpu.barrier barrier_id(%barrier3A_16)
    %eq3A_17 = arith.constant 0 : i32
    %eq3A_18 = arith.cmpi eq, %arg0, %eq3A_17 : i32
    %convert_element_type3A_19 = arith.extui %eq3A_18 : i1 to i32
    %cond3A_20 = arith.constant 0 : i32
    %cond3A_21 = arith.cmpi ne, %convert_element_type3A_19, %cond3A_20 : i32
    scf.if %cond3A_21 {
      %mul3A_22 = arith.constant 512 : i32
      %mul3A_23 = arith.muli %arg1, %mul3A_22 : i32
      %mul3A_24 = arith.constant 512 : i32
      %mul3A_25 = arith.muli %arg1, %mul3A_24 : i32
      "tpu.region"() ({
        %run_scoped3A = tpu.sem_alloc : memref<!tpu.dma_semaphore, #tpu.memory_space<semaphore_mem>>
        %dma_start3A = tpu.memref_slice %arg5[%mul3A_25] : memref<8192xf32, #tpu.memory_space<hbm>> -> memref<512xf32, #tpu.memory_space<hbm>>
        %dma_start3A_26 = tpu.memref_slice %arg10[%mul3A_23] : memref<8192xf32, #tpu.memory_space<vmem_shared>> -> memref<512xf32, #tpu.memory_space<vmem_shared>>
        tpu.enqueue_dma source(%dma_start3A_26 : memref<512xf32, #tpu.memory_space<vmem_shared>>) target(%dma_start3A : memref<512xf32, #tpu.memory_space<hbm>>) target_semaphore(%run_scoped3A : memref<!tpu.dma_semaphore, #tpu.memory_space<semaphore_mem>>)
        %dma_wait3A = tpu.memref_slice %arg5[%mul3A_25] : memref<8192xf32, #tpu.memory_space<hbm>> -> memref<512xf32, #tpu.memory_space<hbm>>
        %dma_wait3A_27 = tpu.memref_slice %arg10[%mul3A_23] : memref<8192xf32, #tpu.memory_space<vmem_shared>> -> memref<512xf32, #tpu.memory_space<vmem_shared>>
        tpu.wait_dma2 semaphore(%run_scoped3A : memref<!tpu.dma_semaphore, #tpu.memory_space<semaphore_mem>>) src(%dma_wait3A_27 : memref<512xf32, #tpu.memory_space<vmem_shared>>) dst(%dma_wait3A : memref<512xf32, #tpu.memory_space<hbm>>)
        tpu.yield
      }) : () -> ()
    } else {
    }
    return
  }
}

module attributes {stable_mosaic.version = 14 : i64} {
  func.func @_tc_body(%arg0: i32, %arg1: memref<512x32xf32, #tpu.memory_space<vmem>>, %arg2: memref<32x8192xf32, #tpu.memory_space<vmem>>, %arg3: memref<1x1x512xi32, #tpu.memory_space<vmem>>, %arg4: memref<1x1x1xf32, #tpu.memory_space<smem>>) attributes {dimension_semantics = [#tpu.dimension_semantics<parallel>], iteration_bounds = array<i64: 32>, scalar_prefetch = 0 : i64, scratch_operands = 0 : i64, tpu.core_type = #tpu.core_type<tc>, window_params = [{transform_indices = @transform_0, window_bounds = array<i64: 512, 32>}, {pipeline_mode = #tpu.pipeline_mode<synchronous>, transform_indices = @transform_1, window_bounds = array<i64: 32, 8192>}, {transform_indices = @transform_2, window_bounds = array<i64: 1, 1, 512>}, {transform_indices = @transform_3, window_bounds = array<i64: 1, 1, 1>}]} {
    %get3A = arith.constant 0 : index
    %get3A_0 = arith.constant 0 : index
    %get3A_1 = vector.load %arg1[%get3A, %get3A_0] : memref<512x32xf32, #tpu.memory_space<vmem>>, vector<512x32xf32>
    %get3A_2 = arith.constant 0 : index
    %get3A_3 = arith.constant 0 : index
    %get3A_4 = vector.load %arg2[%get3A_2, %get3A_3] : memref<32x8192xf32, #tpu.memory_space<vmem>>, vector<32x8192xf32>
    %dot_general3A = arith.constant dense<0.000000e+00> : vector<512x8192xf32>
    %dot_general3A_5 = tpu.matmul %get3A_1, %get3A_4, %dot_general3A {dimension_numbers = #tpu.dot_dimension_numbers<[1], [0], [0], [1], [0, 0, 1, 1], [], []>, transpose_lhs_hint = false} : vector<512x32xf32>, vector<32x8192xf32>, vector<512x8192xf32> -> vector<512x8192xf32>
    %mul3A = arith.mulf %get3A_4, %get3A_4 : vector<32x8192xf32>
    %reduce_sum3A = arith.constant dense<0.000000e+00> : vector<8192xf32>
    %reduce_sum3A_6 = vector.multi_reduction <add>, %mul3A, %reduce_sum3A [0] : vector<32x8192xf32> to vector<8192xf32>
    %broadcast_in_dim3A = vector.shape_cast %reduce_sum3A_6 : vector<8192xf32> to vector<1x8192xf32>
    %mul3A_7 = arith.mulf %get3A_1, %get3A_1 : vector<512x32xf32>
    %reduce_sum3A_8 = arith.constant dense<0.000000e+00> : vector<512xf32>
    %reduce_sum3A_9 = vector.multi_reduction <add>, %mul3A_7, %reduce_sum3A_8 [1] : vector<512x32xf32> to vector<512xf32>
    %broadcast_in_dim3A_10 = vector.shape_cast %reduce_sum3A_9 : vector<512xf32> to vector<512x1xf32>
    %mul3A_11 = arith.constant 2.500000e-01 : f32
    %mul3A_12 = vector.broadcast %mul3A_11 : f32 to vector<512x1xf32>
    %mul3A_13 = arith.mulf %mul3A_12, %broadcast_in_dim3A_10 : vector<512x1xf32>
    %add3A = vector.broadcast %mul3A_13 : vector<512x1xf32> to vector<512x8192xf32>
    %add3A_14 = arith.addf %add3A, %dot_general3A_5 : vector<512x8192xf32>
    %add3A_15 = vector.broadcast %broadcast_in_dim3A : vector<1x8192xf32> to vector<512x8192xf32>
    %add3A_16 = arith.addf %add3A_14, %add3A_15 : vector<512x8192xf32>
    %slice3A = vector.extract_strided_slice %add3A_16 {offsets = [0, 0], sizes = [512, 4096], strides = [1, 1]} : vector<512x8192xf32> to vector<512x4096xf32>
    %slice3A_17 = vector.extract_strided_slice %add3A_16 {offsets = [0, 4096], sizes = [512, 4096], strides = [1, 1]} : vector<512x8192xf32> to vector<512x4096xf32>
    %reduce_min3A = arith.constant dense<0x7F800000> : vector<512xf32>
    %reduce_min3A_18 = vector.multi_reduction <minimumf>, %slice3A, %reduce_min3A [1] : vector<512x4096xf32> to vector<512xf32>
    %broadcast_in_dim3A_19 = vector.shape_cast %reduce_min3A_18 : vector<512xf32> to vector<512x1xf32>
    %reduce_min3A_20 = arith.constant dense<0x7F800000> : vector<512xf32>
    %reduce_min3A_21 = vector.multi_reduction <minimumf>, %slice3A_17, %reduce_min3A_20 [1] : vector<512x4096xf32> to vector<512xf32>
    %broadcast_in_dim3A_22 = vector.shape_cast %reduce_min3A_21 : vector<512xf32> to vector<512x1xf32>
    %iota3A = tpu.iota {dimensions = array<i32: 1>} : vector<512x4096xi32>
    %convert_element_type3A = arith.sitofp %iota3A : vector<512x4096xi32> to vector<512x4096xf32>
    %eq3A = vector.broadcast %broadcast_in_dim3A_19 : vector<512x1xf32> to vector<512x4096xf32>
    %eq3A_23 = arith.cmpf oeq, %slice3A, %eq3A : vector<512x4096xf32>
    %jit3A = arith.constant 4.096000e+03 : f32
    %broadcast_in_dim3A_24 = vector.broadcast %jit3A : f32 to vector<512x4096xf32>
    %select_n3A = arith.select %eq3A_23, %convert_element_type3A, %broadcast_in_dim3A_24 : vector<512x4096xi1>, vector<512x4096xf32>
    %reduce_min3A_25 = arith.constant dense<0x7F800000> : vector<512xf32>
    %reduce_min3A_26 = vector.multi_reduction <minimumf>, %select_n3A, %reduce_min3A_25 [1] : vector<512x4096xf32> to vector<512xf32>
    %eq3A_27 = vector.broadcast %broadcast_in_dim3A_22 : vector<512x1xf32> to vector<512x4096xf32>
    %eq3A_28 = arith.cmpf oeq, %slice3A_17, %eq3A_27 : vector<512x4096xf32>
    %jit3A_29 = arith.constant 4.096000e+03 : f32
    %broadcast_in_dim3A_30 = vector.broadcast %jit3A_29 : f32 to vector<512x4096xf32>
    %select_n3A_31 = arith.select %eq3A_28, %convert_element_type3A, %broadcast_in_dim3A_30 : vector<512x4096xi1>, vector<512x4096xf32>
    %reduce_min3A_32 = arith.constant dense<0x7F800000> : vector<512xf32>
    %reduce_min3A_33 = vector.multi_reduction <minimumf>, %select_n3A_31, %reduce_min3A_32 [1] : vector<512x4096xf32> to vector<512xf32>
    %add3A_34 = arith.constant 4.096000e+03 : f32
    %add3A_35 = vector.broadcast %add3A_34 : f32 to vector<512xf32>
    %add3A_36 = arith.addf %reduce_min3A_33, %add3A_35 : vector<512xf32>
    %squeeze3A = vector.shape_cast %broadcast_in_dim3A_22 : vector<512x1xf32> to vector<512xf32>
    %bitcast_convert_type3A = tpu.bitcast %broadcast_in_dim3A_19 : vector<512x1xf32> -> vector<512x1xi32>
    %add3A_37 = arith.constant 32767 : i32
    %add3A_38 = vector.broadcast %add3A_37 : i32 to vector<512x1xi32>
    %add3A_39 = arith.addi %bitcast_convert_type3A, %add3A_38 : vector<512x1xi32>
    %shift_right_arithmetic3A = arith.constant 16 : i32
    %shift_right_arithmetic3A_40 = vector.broadcast %shift_right_arithmetic3A : i32 to vector<512x1xi32>
    %shift_right_arithmetic3A_41 = arith.shrsi %bitcast_convert_type3A, %shift_right_arithmetic3A_40 : vector<512x1xi32>
    %and3A = arith.constant 1 : i32
    %and3A_42 = vector.broadcast %and3A : i32 to vector<512x1xi32>
    %and3A_43 = arith.andi %shift_right_arithmetic3A_41, %and3A_42 : vector<512x1xi32>
    %add3A_44 = arith.addi %add3A_39, %and3A_43 : vector<512x1xi32>
    %and3A_45 = arith.constant -65536 : i32
    %and3A_46 = vector.broadcast %and3A_45 : i32 to vector<512x1xi32>
    %and3A_47 = arith.andi %add3A_44, %and3A_46 : vector<512x1xi32>
    %bitcast_convert_type3A_48 = tpu.bitcast %and3A_47 : vector<512x1xi32> -> vector<512x1xf32>
    %squeeze3A_49 = vector.shape_cast %bitcast_convert_type3A_48 : vector<512x1xf32> to vector<512xf32>
    %lt3A = arith.cmpf olt, %squeeze3A, %squeeze3A_49 : vector<512xf32>
    %select_n3A_50 = arith.select %lt3A, %add3A_36, %reduce_min3A_26 : vector<512xi1>, vector<512xf32>
    %convert_element_type3A_51 = arith.fptosi %select_n3A_50 : vector<512xf32> to vector<512xi32>
    %swap3A = arith.constant 0 : index
    %swap3A_52 = arith.constant 0 : index
    %swap3A_53 = arith.constant 0 : index
    %swap3A_54 = vector.load %arg3[%swap3A, %swap3A_52, %swap3A_53] : memref<1x1x512xi32, #tpu.memory_space<vmem>>, vector<1x1x512xi32>
    %swap3A_55 = vector.shape_cast %swap3A_54 : vector<1x1x512xi32> to vector<512xi32>
    %swap3A_56 = vector.shape_cast %convert_element_type3A_51 : vector<512xi32> to vector<1x1x512xi32>
    tpu.vector_store %arg3[%swap3A, %swap3A_52, %swap3A_53], %swap3A_56 {strides = array<i32>} : memref<1x1x512xi32, #tpu.memory_space<vmem>>, vector<1x1x512xi32>,
    %squeeze3A_57 = vector.shape_cast %broadcast_in_dim3A_22 : vector<512x1xf32> to vector<512xf32>
    %squeeze3A_58 = vector.shape_cast %broadcast_in_dim3A_19 : vector<512x1xf32> to vector<512xf32>
    %select_n3A_59 = arith.select %lt3A, %squeeze3A_57, %squeeze3A_58 : vector<512xi1>, vector<512xf32>
    %reduce_sum3A_60 = vector.shape_cast %select_n3A_59 : vector<512xf32> to vector<1x512xf32>
    %reduce_sum3A_61 = arith.constant dense<0.000000e+00> : vector<1xf32>
    %reduce_sum3A_62 = vector.multi_reduction <add>, %reduce_sum3A_60, %reduce_sum3A_61 [1] : vector<1x512xf32> to vector<1xf32>
    %reduce_sum3A_63 = vector.shape_cast %reduce_sum3A_62 : vector<1xf32> to vector<1x1xf32>
    %reduce_sum3A_64 = vector.extract %reduce_sum3A_63[0, 0] : f32 from vector<1x1xf32>
    %swap3A_65 = arith.constant 0 : index
    %swap3A_66 = arith.constant 0 : index
    %swap3A_67 = arith.constant 0 : index
    %swap3A_68 = memref.load %arg4[%swap3A_65, %swap3A_66, %swap3A_67] : memref<1x1x1xf32, #tpu.memory_space<smem>>
    memref.store %reduce_sum3A_64, %arg4[%swap3A_65, %swap3A_66, %swap3A_67] : memref<1x1x1xf32, #tpu.memory_space<smem>>
    return
  }
  func.func @transform_0(%arg0: i32) -> (i32, i32) {
    %c0_i32 = arith.constant 0 : i32
    %c0_i32_0 = arith.constant 0 : i32
    return %arg0, %c0_i32 : i32, i32
  }
  func.func @transform_1(%arg0: i32) -> (i32, i32) {
    %c0_i32 = arith.constant 0 : i32
    %c0_i32_0 = arith.constant 0 : i32
    %c0_i32_1 = arith.constant 0 : i32
    return %c0_i32, %c0_i32_0 : i32, i32
  }
  func.func @transform_2(%arg0: i32) -> (i32, i32, i32) {
    %c0_i32 = arith.constant 0 : i32
    %c0_i32_0 = arith.constant 0 : i32
    %c0_i32_1 = arith.constant 0 : i32
    return %arg0, %c0_i32, %c0_i32_0 : i32, i32, i32
  }
  func.func @transform_3(%arg0: i32) -> (i32, i32, i32) {
    %c0_i32 = arith.constant 0 : i32
    %c0_i32_0 = arith.constant 0 : i32
    %c0_i32_1 = arith.constant 0 : i32
    return %arg0, %c0_i32, %c0_i32_0 : i32, i32, i32
  }
}

</mosaic_0001>

<sc_bundles>
// kernel: kernel.4.cloned.1.call-start
scs
__scs_entry_jumppad:
0x0: {  	(pc) =	sbr.rel $0x88, $3  }
0x1: {  	(tag) =	ssettag $0x0;
	lr =	simm.s32 $0x1  }
0x2: {  	[smem:$0x3F9F] =	sst lr;
	_ =	strace $0xD0000000  }
0x3: {  	_ = 	snop  }
0x4: {  	_ = 	snop  }
0x5: {  	_ = 	snop  }
0x6: {  	_ = 	snop  }
0x7: {  	_ = 	snop  }
__scs_overlays_trampoline_lowered:
0x8: {  	[smem:$0x3FAE] =	sst s0  }
0x9: {  	[smem:$0x3FAF] =	sst s1  }
0xa: {  	[smem:$0x3FB0] =	sst s2  }
0xb: {  	[smem:$0x3FB1] =	sst s3  }
0xc: {  	[smem:$0x3FB2] =	sst s4  }
0xd: {  	[smem:$0x3FB3] =	sst s5  }
0xe: {  	[smem:$0x3FB4] =	sst s6  }
0xf: {  	[smem:$0x3FB5] =	sst s7  }
0x10: {  	[smem:$0x3FB6] =	sst s8  }
0x11: {  	[smem:$0x3FB7] =	sst s9;
	s0 =	simm.s32 @!p0 $0x0  }
0x12: {  	s1 =	sld [smem:$0x3F9D];
	s0 =	simm.s32 @p0 $0x1  }
0x13: {  	[smem:$0x3FB8] =	sst s0;
	s0 =	simm.s32 @!p1 $0x0  }
0x14: {  	s2 =	sld [smem:$0x3F9C];
	s0 =	simm.s32 @p1 $0x1  }
0x15: {  	[smem:$0x3FB9] =	sst s0;
	s0 =	simm.s32 @!p2 $0x0  }
0x16: {  	s3 =	sld [smem:$0x3FDB];
	s0 =	simm.s32 @p2 $0x1  }
0x17: {  	s4 =	simm.s32 $0x1BF5;
	[smem:$0x3FBB] =	sst s0  }
0x18: {  	s0 =	sld [smem:$0x3F9E];
	_ =	swait.ge [sflag:s4], $0x0  }
0x19: {  	s7 =	sld [smem:$0x3F9F]  }
0x1a: {  	s8 =	sadd.s32 $0xFFFFE003, lr  }
0x1b: {  	s9 =	sadd.s32 $0xFFFFFEF7, lr;
	s5 =	simm.s32 $0xFFFFFFFF;
	p2 =	slt.u32 s8, $0xFFFFF086  }
0x1c: {  	p1 =	slt.u32 s9, $0xF7A;
	s5 =	simm.s32 @!p2 $0x0  }
0x1d: {  	s5 =	simm.s32 @p1 $0x1;
	p0 =	seq.s32 s7, s2  }
0x1e: {  	s7 =	smul.u32 @!p0 $0xF7A, s2;
	p2 =	seq.s32 @!p0 s5, $0x0  }
0x1f: {  	s9 =	smul.u32 $0xF7A, s1;
	s8 =	simm.s32 @!p0 $0x1BF5;
	p2 =	por !p2, p0  }
0x20: {  	[sflag:s8] =	ssyncset.s32 @!p0 $0xFFFFF086;
	s6 =	sadd.s32 @!p0 s3, s7;
	s7 =	simm.s32 @!p0 $0x108  }
0x21: {  	s3 =	sadd.s32 s3, s9;
	s6 =	sadd.s32 @!p0 $0x88, s6;
	s7 =	simm.s32 @p2 $0x1082  }
0x22: {  	[simem:s7], [sflag:s8] =	dma.local @!p0 [hbm:s6], $0xF7A  }
0x23: {  	s9 =	sor.u32 $0xD0000000, s2;
	s6 =	simm.s32 $0x108;
	_ =	swait.ge @!p0 [sflag:s8], $0x0  }
0x24: {  	s3 =	sadd.s32 $0x88, s3;
	s6 =	simm.s32 @!p1 $0x1082;
	[sflag:s4] =	ssyncset.s32 $0xFFFFF086  }
0x25: {  	[simem:s6], [sflag:s4] =	dma.local [hbm:s3], $0xF7A  }
0x26: {  	[smem:$0x3F9F] =	sst s1;
	(tag) =	ssettag s2;
	_ =	strace s9  }
0x27: {  	s1 =	sld [smem:$0x3FAF]  }
0x28: {  	s2 =	sld [smem:$0x3FB0]  }
0x29: {  	s4 =	sld [smem:$0x3FB2]  }
0x2a: {  	p0 =	seq.s32 s5, $0x0;
	s5 =	sld [smem:$0x3FB3]  }
0x2b: {  	s6 =	sld [smem:$0x3FB4]  }
0x2c: {  	s7 =	sld [smem:$0x3FB5]  }
0x2d: {  	s3 =	simm.s32 $0x108;
	s8 =	sld [smem:$0x3FB6]  }
0x2e: {  	s3 =	simm.s32 @!p0 $0x1082;
	s9 =	sld [smem:$0x3FB7]  }
0x2f: {  	lr =	sadd.s32 s0, s3;
	s0 =	sld [smem:$0x3FAE]  }
0x30: {  	s3 =	sld [smem:$0x3FB1]  }
0x31: {  	[smem:$0x3FBA] =	sst s10  }
0x32: {  	s10 =	sld [smem:$0x3FB8];
	_ =	sdelay $0x3  }
0x33: {  	p0 =	seq.s32 s10, $0x1;
	s10 =	sld [smem:$0x3FBA];
	_ =	sdelay $0x3  }
0x34: {  	[smem:$0x3FBA] =	sst s10  }
0x35: {  	s10 =	sld [smem:$0x3FB9];
	_ =	sdelay $0x3  }
0x36: {  	p1 =	seq.s32 s10, $0x1;
	s10 =	sld [smem:$0x3FBA];
	_ =	sdelay $0x3  }
0x37: {  	[smem:$0x3FBA] =	sst s10  }
0x38: {  	s10 =	sld [smem:$0x3FBB]  }
0x39: {  	_ = 	snop;
	(pc) =	sbr.ind lr, $3  }
0x3a: {  	_ = 	snop  }
0x3b: {  	_ = 	snop  }
0x3c: {  	p2 =	seq.s32 s10, $0x1;
	s10 =	sld [smem:$0x3FBA]  }
0x3d: {  	_ =	shalt  }
0x3e: {  	_ =	shalt  }
0x3f: {  	_ =	shalt  }
0x40: {  	_ =	shalt  }
0x41: {  	_ =	shalt  }
0x42: {  	_ =	shalt  }
0x43: {  	_ =	shalt  }
0x44: {  	_ =	shalt  }
0x45: {  	_ =	shalt  }
0x46: {  	_ =	shalt  }
0x47: {  	_ =	shalt  }
0x48: {  	_ =	shalt  }
0x49: {  	_ =	shalt  }
0x4a: {  	_ =	shalt  }
0x4b: {  	_ =	shalt  }
0x4c: {  	_ =	shalt  }
0x4d: {  	_ =	shalt  }
0x4e: {  	_ =	shalt  }
0x4f: {  	_ =	shalt  }
0x50: {  	_ =	shalt  }
0x51: {  	_ =	shalt  }
0x52: {  	_ =	shalt  }
0x53: {  	_ =	shalt  }
0x54: {  	_ =	shalt  }
0x55: {  	_ =	shalt  }
0x56: {  	_ =	shalt  }
0x57: {  	_ =	shalt  }
0x58: {  	_ =	shalt  }
0x59: {  	_ =	shalt  }
0x5a: {  	_ =	shalt  }
0x5b: {  	_ =	shalt  }
0x5c: {  	_ =	shalt  }
0x5d: {  	_ =	shalt  }
0x5e: {  	_ =	shalt  }
0x5f: {  	_ =	shalt  }
0x60: {  	_ =	shalt  }
0x61: {  	_ =	shalt  }
0x62: {  	_ =	shalt  }
0x63: {  	_ =	shalt  }
0x64: {  	_ =	shalt  }
0x65: {  	_ =	shalt  }
0x66: {  	_ =	shalt  }
0x67: {  	_ =	shalt  }
0x68: {  	_ =	shalt  }
0x69: {  	_ =	shalt  }
0x6a: {  	_ =	shalt  }
0x6b: {  	_ =	shalt  }
0x6c: {  	_ =	shalt  }
0x6d: {  	_ =	shalt  }
0x6e: {  	_ =	shalt  }
0x6f: {  	_ =	shalt  }
0x70: {  	_ =	shalt  }
0x71: {  	_ =	shalt  }
0x72: {  	_ =	shalt  }
0x73: {  	_ =	shalt  }
0x74: {  	_ =	shalt  }
0x75: {  	_ =	shalt  }
0x76: {  	_ =	shalt  }
0x77: {  	_ =	shalt  }
0x78: {  	_ =	shalt  }
0x79: {  	_ =	shalt  }
0x7a: {  	_ =	shalt  }
0x7b: {  	_ =	shalt  }
0x7c: {  	_ =	shalt  }
0x7d: {  	_ =	shalt  }
0x7e: {  	_ =	shalt  }
0x7f: {  	_ =	shalt  }
0x80: {  	_ =	shalt  }
0x81: {  	_ =	shalt  }
0x82: {  	_ =	shalt  }
0x83: {  	_ =	shalt  }
0x84: {  	_ =	shalt  }
0x85: {  	_ =	shalt  }
0x86: {  	_ =	shalt  }
0x87: {  	_ =	shalt  }
.Lfunc_end0:
.L_simem_size_0:
called_computation_lowered:
.L_overlay_start_0:
0x88: {  	s2 =	sld [smem:$0x3FD9]  }
0x89: {  	s3 =	sld [smem:$0x3FFE];
	_ =	sdelay $0x1  }
0x8a: {  	s1 =	srdreg.scid  }
0x8b: {  	s0 =	sand.u32 $0x1, s1  }
0x8c: {  	s14 =	sshll.u32 s0, $0xA;
	s2 =	sadd.s32 s3, s2  }
0x8d: {  	s2 =	sadd.s32 s2, s14  }
0x8e: {  	[smem:$0x3FC6] =	sst s2  }
0x8f: {  	_ = 	snop  }
0x90: {  	s2 =	sld [smem:$0x3FD0];
	_ =	sdelay $0x2  }
0x91: {  	s15 =	simm.s32 $0xA;
	s4 =	simm.s32 $0x10  }
0x92: {  	[smem:s4], [sflag:s15] =	dma.local [hbm:s2], $0x1  }
0x93: {  	_ =	swait.eq [sflag:s15], $0x1  }
0x94: {  	s16 =	sld [smem:$0x10];
	[sflag:s15] =	ssyncset.done $0x0  }
0x95: {  	s17 =	sld [smem:$0x11];
	[sflag:s15] =	ssyncadd.s32 $0xFFFFFFFF  }
0x96: {  	s18 =	sld [smem:$0x13];
	(tm) =	ssettm $0x1  }
0x97: {  	s5 =	sld [smem:$0x3FFB];
	_ =	sdelay $0x3  }
0x98: {  	_ =	strace s5  }
0x99: {  	s5 =	sld [smem:$0x3FFC];
	_ =	sdelay $0x3  }
0x9a: {  	_ =	strace s5  }
0x9b: {  	s5 =	sld [smem:$0x3FFD];
	_ =	sdelay $0x3  }
0x9c: {  	_ =	strace s5  }
0x9d: {  	_ =	strace $0x8FFFFFFF  }
0x9e: {  	s19 =	sld [smem:$0x3FDB];
	_ =	sdelay $0x1  }
0x9f: {  	s6 =	simm.s32 $_scs_section_size  }
0xa0: {  	s7 =	simm.s32 $_size__tile_overlayer_lowered;
	s8 =	simm.s32 $_tile_overlayer_lowered  }
0xa1: {  	s22 =	simm.s32 $0x1BFF;
	s21 =	sshll.u32 s8, $0x1;
	s5 =	sadd.s32 s6, s19  }
0xa2: {  	s9 =	simm.s32 $0x0;
	s20 =	sshll.u32 s7, $0x1;
	s7 =	sadd.s32 s21, s5  }
0xa3: {  	[timem:s9], [sflag:s22] =	dma.local [hbm:s7], s20  }
0xa4: {  	_ =	swait.ge [sflag:s22], s20  }
0xa5: {  	s6 =	ssub.s32 $0x0, s20;
	[sflag:s22] =	ssyncset.done $0x0  }
0xa6: {  	[sflag:s22] =	ssyncadd.s32 s6;
	_ =	sdelay $0x1  }
0xa7: {  	s23 =	simm.s32 $0x1B8B  }
0xa8: {  	_ =	swait.ge [sflag:s23], $0x1  }
0xa9: {  	[sflag:s23] =	ssyncset.done $0x0  }
0xaa: {  	s25 =	simm.s32 $0x1B8E;
	s24 =	sld [smem:$0x3FFE];
	[sflag:s23] =	ssyncadd.s32 $0xFFFFFFFF  }
0xab: {  	s26 =	simm.s32 $execute0_lowered;
	[smem:$0x3FD2] =	sst s25  }
0xac: {  	s7 =	sshll.u32 s26, $0x1;
	_ =	strace $0x80000046;
	[dreg:$0x1] =	wrdreg $0xFFFFFFFF  }
0xad: {  	s28 =	simm.s32 $_size_execute0_lowered;
	s5 =	sadd.s32 s5, s7;
	[dreg:$0x0] =	wrdreg $0x0  }
0xae: {  	s7 =	sshll.u32 s28, $0x1;
	[dreg:$0x2] =	wrdreg s5  }
0xaf: {  	[dreg:$0x3] =	wrdreg s7  }
0xb0: {  	[dreg:$0x4] =	wrdreg $0xC0  }
0xb1: {  	_ =	task [dreg:s9], $0x5FFFF  }
0xb2: {  	[dreg:$0x1] =	wrdreg $0xFFFFFFFF  }
0xb3: {  	[dreg:$0x0] =	wrdreg $0x60  }
0xb4: {  	[dreg:$0x2] =	wrdreg s24  }
0xb5: {  	[dreg:$0x3] =	wrdreg s17  }
0xb6: {  	[dreg:$0x4] =	wrdreg s16  }
0xb7: {  	[dreg:$0x5] =	wrdreg s18  }
0xb8: {  	[dreg:$0x6] =	wrdreg $0x13000  }
0xb9: {  	[dreg:$0x7] =	wrdreg $0x9  }
0xba: {  	_ =	task.clear_ibuf [dreg:s9], $0x8FFFF;
	_ =	strace $0x90000046  }
0xbb: {  	s29 =	simm.s32 $0x9;
	_ =	strace $0x80000048  }
0xbc: {  	_ =	swait.ge [sflag:s29], $0x1  }
0xbd: {  	[sflag:s29] =	ssyncadd.s32 $0xFFFFFFFF  }
0xbe: {  	_ =	strace $0x90000048  }
0xbf: {  	_ =	sfence  }
0xc0: {  	s30 =	sld [smem:$0x0];
	_ =	sdelay $0x2  }
0xc1: {  	s31 =	sshll.u32 s1, $0xD;
	s1 =	sshrl.u32 s1, $0x2  }
0xc2: {  	s3 =	sand.u32 $0x4000, s31;
	s1 =	sadd.s32 s1, s30  }
0xc3: {  	s0 =	sor.u32 s3, s0;
	s1 =	sshll.u32 s1, $0x11  }
0xc4: {  	s0 =	sor.u32 s1, s0  }
0xc5: {  	s0 =	sadd.s32 $0x8F2B, s0  }
0xc6: {  	[sflag:s0] =	ssyncadd.remote.s32 $0x1  }
0xc7: {  	_ =	sfence.sel $0xFFFF  }
0xc8: {  	[dreg:$0x0] =	wrdreg $0xFFFFFFFF;
	(pc) =	sbr.abs _section_cstart, $3  }
0xc9: {  	[dreg:$0x1] =	wrdreg $0xFFFFFFFF  }
0xca: {  	_ =	task.clear_ibuf [dreg:s9], $0x2FFFF;
	_ =	strace $0x9FFFFFFF  }
0xcb: {  	(tm) =	ssettm $0x7FFFFFFF  }
tec
execute0_lowered:
.L_overlay_start_1:
0x0: {  	(tag) =	ssettag $0x1  }
0x1: {  	s4 =	rddreg [dreg:$0x0]  }
0x2: {  	s16 =	rddreg [dreg:$0x1]  }
0x3: {  	s17 =	rddreg [dreg:$0x2]  }
0x4: {  	s8 =	rddreg [dreg:$0x3]  }
0x5: {  	s1 =	rddreg [dreg:$0x4]  }
0x6: {  	s2 =	srdreg.scid;
	s0 =	rddreg [dreg:$0x5]  }
0x7: {  	s3 =	simm.s32 $0x0;
	s28 =	simm.s32 $0x1;
	s29 =	simm.s32 $0x1080  }
0x8: {  	s25 =	sand.u32 $0x1, s2;
	[smem:$0x7FF] =	sst s3;
	s2 =	stileid.u32  }
0x9: {  	s4 =	sadd.s32 $0xA00, s4;
	s5 =	ssub.s32 $0x2, s25;
	_ =	strace $0x80000047  }
0xa: {  	s7 =	sshll.u32 s2, $0x9;
	s26 =	sshll.u32 s2, $0xA;
	s30 =	sshll.u32 s25, $0x9  }
0xb: {  	s10 =	sshll.u32 s2, $0x7;
	p0 =	sne.s32 s25, $0x0;
	s25 =	simm.s32 $0x2  }
0xc: {  	s6 =	sshrl.u32 s5, $0x1;
	s15 =	sor.u32 s30, s26;
	s26 =	simm.s32 $0x80  }
0xd: {  	s9 =	ssub.s32 s5, s6;
	s5 =	sadd.s32 s7, s1;
	s6 =	sadd.s32 s16, s10  }
0xe: {  	s7 =	sshll.u32 s2, $0x6;
	s31 =	sshrl.u32 s15, $0x3;
	s11 =	sshll.u32 s15, $0x2  }
0xf: {  	s13 =	sor.u32 $0x80, s15;
	s18 =	sor.u32 $0x100, s15;
	s15 =	sor.u32 $0x180, s15  }
0x10: {  	s8 =	sadd.s32 s8, s7;
	s9 =	smax.u32 s9, $0x1;
	s10 =	sadd.s32 s16, s31  }
0x11: {  	s11 =	sadd.s32 s17, s11;
	s12 =	sshrl.u32 s13, $0x3;
	s13 =	sshll.u32 s13, $0x2  }
0x12: {  	s14 =	sshrl.u32 s18, $0x3;
	s18 =	sshll.u32 s18, $0x2;
	s19 =	sshrl.u32 s15, $0x3  }
.Ltmp0:
0x13: {  	s20 =	sshll.u32 s15, $0x2;
	s21 =	sadd.s32 $0x40, s6;
	(pc) =	sbr.rel .LBB2_1-.Ltmp0, $4  }
0x14: {  	s22 =	sadd.s32 $0x50, s6;
	s23 =	sadd.s32 $0x60, s6;
	s24 =	sadd.s32 $0x70, s6  }
0x15: {  	s12 =	sadd.s32 s16, s12;
	s13 =	sadd.s32 s17, s13;
	s14 =	sadd.s32 s16, s14  }
0x16: {  	s15 =	sadd.s32 s17, s18;
	s16 =	sadd.s32 s16, s19;
	s17 =	sadd.s32 s17, s20  }
0x17: {  	s18 =	sadd.s32 $0x10, s6;
	s19 =	sadd.s32 $0x20, s6;
	s20 =	sadd.s32 $0x30, s6  }
.LBB2_3:
0x18: {  	[bflag:$0x0] =	sbarrier.arrive $0xFFFF  }
.LBB2_4:
0x19: {  	s9 =	sadd.s32 $0xFFFFFFFF, s9  }
0x1a: {  	p1 =	sne.s32 s9, $0x0  }
.Ltmp1:
0x1b: {  	_ = 	snop;
	(pc) =	sbr.rel @!p1 .LBB2_5-.Ltmp1, $1  }
0x1c: {  	_ =	sdelay $0x3  }
.LBB2_1:
0x1d: {  	v0 =	vimm.f32 @!p0 $0.0e+00  }
0x1e: {  	[tilespmem:$0x1100] =	vst @!p0 v0  }
0x1f: {  	[tilespmem:$0x1110] =	vst @!p0 v0  }
0x20: {  	[tilespmem:$0x1120] =	vst @!p0 v0  }
0x21: {  	[tilespmem:$0x1130] =	vst @!p0 v0  }
0x22: {  	[tilespmem:$0x1140] =	vst @!p0 v0  }
0x23: {  	[tilespmem:$0x1150] =	vst @!p0 v0  }
0x24: {  	[tilespmem:$0x1160] =	vst @!p0 v0  }
0x25: {  	[tilespmem:$0x1170] =	vst @!p0 v0  }
0x26: {  	[tilespmem:$0x1180] =	vst @!p0 v0  }
0x27: {  	[tilespmem:$0x1190] =	vst @!p0 v0  }
0x28: {  	[tilespmem:$0x11A0] =	vst @!p0 v0  }
0x29: {  	[tilespmem:$0x11B0] =	vst @!p0 v0  }
0x2a: {  	[tilespmem:$0x11C0] =	vst @!p0 v0  }
0x2b: {  	[tilespmem:$0x11D0] =	vst @!p0 v0  }
0x2c: {  	[tilespmem:$0x11E0] =	vst @!p0 v0  }
0x2d: {  	[tilespmem:$0x11F0] =	vst @!p0 v0  }
0x2e: {  	[tilespmem:$0x1200] =	vst @!p0 v0  }
0x2f: {  	[tilespmem:$0x1210] =	vst @!p0 v0  }
0x30: {  	[tilespmem:$0x1220] =	vst @!p0 v0  }
0x31: {  	[tilespmem:$0x1230] =	vst @!p0 v0  }
0x32: {  	[tilespmem:$0x1240] =	vst @!p0 v0  }
0x33: {  	[tilespmem:$0x1250] =	vst @!p0 v0  }
0x34: {  	[tilespmem:$0x1260] =	vst @!p0 v0  }
0x35: {  	[tilespmem:$0x1270] =	vst @!p0 v0  }
0x36: {  	[tilespmem:$0x1280] =	vst @!p0 v0  }
0x37: {  	[tilespmem:$0x1290] =	vst @!p0 v0  }
0x38: {  	[tilespmem:$0x12A0] =	vst @!p0 v0  }
0x39: {  	[tilespmem:$0x12B0] =	vst @!p0 v0  }
0x3a: {  	[tilespmem:$0x12C0] =	vst @!p0 v0  }
0x3b: {  	[tilespmem:$0x12D0] =	vst @!p0 v0  }
0x3c: {  	[tilespmem:$0x12E0] =	vst @!p0 v0  }
0x3d: {  	[tilespmem:$0x12F0] =	vst @!p0 v0;
	v0 =	vimm.f32 @!p0 $1.000000000e+00  }
0x3e: {  	[tilespmem:$0x1080] =	vst @!p0 v0  }
0x3f: {  	[tilespmem:$0x1090] =	vst @!p0 v0  }
0x40: {  	[tilespmem:$0x10A0] =	vst @!p0 v0  }
0x41: {  	[tilespmem:$0x10B0] =	vst @!p0 v0  }
0x42: {  	[tilespmem:$0x10C0] =	vst @!p0 v0  }
0x43: {  	[tilespmem:$0x10D0] =	vst @!p0 v0  }
0x44: {  	[tilespmem:$0x10E0] =	vst @!p0 v0  }
0x45: {  	s30 =	simm.s32 @!p0 $0x1100;
	[tilespmem:$0x10F0] =	vst @!p0 v0  }
0x46: {  	[spmem:s5] =	stream.linear.scatter @!p0 [tilespmem:s30], [sflag:$0x2], $0x200, $0x38;
	[tilespmem:$0x1500] =	vst v63  }
0x47: {  	s30 =	simm.s32 @!p0 $0x2  }
0x48: {  	_ =	swait.ge @!p0 [sflag:s30], $0x200  }
0x49: {  	[sflag:s30] =	ssyncset.done @!p0 $0x0  }
0x4a: {  	[sflag:s30] =	ssyncadd.s32 @!p0 $0xFFFFFE00  }
0x4b: {  	[bflag:$0x0] =	sbarrier.arrive $0xFFFF  }
0x4c: {  	[tilespmem:s3], [sflag:$0x2] =	stream.linear.gather [hbm4b:s10+s3], $0x80, $0x38;
	[tilespmem:$0x1500] =	vst v63  }
0x4d: {  	_ =	swait.ge [sflag:s25], $0x80  }
0x4e: {  	[sflag:s25] =	ssyncset.done $0x0  }
0x4f: {  	[sflag:s25] =	ssyncadd.s32 $0xFFFFFF80  }
0x50: {  	[tilespmem:s26], [sflag:$0x1] =	stream.indirect.gather [hbm4b:s4+s26], $0x20, s3, s26, $0xb8;
	[tilespmem:$0x1500] =	vst v63  }
0x51: {  	_ =	swait.ge [sflag:s28], $0x1000  }
0x52: {  	[sflag:s28] =	ssyncset.done $0x0  }
0x53: {  	[sflag:s28] =	ssyncadd.s32 $0xFFFFF000  }
0x54: {  	[hbm4b:s11+s3] =	stream.linear.scatter [tilespmem:s26], [sflag:$0x2], $0x1000, $0x38;
	[tilespmem:$0x1500] =	vst v63  }
0x55: {  	_ =	swait.ge [sflag:s25], $0x1000  }
0x56: {  	[sflag:s25] =	ssyncset.done $0x0  }
0x57: {  	[sflag:s25] =	ssyncadd.s32 $0xFFFFF000  }
0x58: {  	[tilespmem:s3], [sflag:$0x2] =	stream.linear.gather [hbm4b:s12+s3], $0x80, $0x38;
	[tilespmem:$0x1500] =	vst v63  }
0x59: {  	_ =	swait.ge [sflag:s25], $0x80  }
0x5a: {  	[sflag:s25] =	ssyncset.done $0x0  }
0x5b: {  	[sflag:s25] =	ssyncadd.s32 $0xFFFFFF80  }
0x5c: {  	[tilespmem:s26], [sflag:$0x1] =	stream.indirect.gather [hbm4b:s4+s26], $0x20, s3, s26, $0xb8;
	[tilespmem:$0x1500] =	vst v63  }
0x5d: {  	_ =	swait.ge [sflag:s28], $0x1000  }
0x5e: {  	[sflag:s28] =	ssyncset.done $0x0  }
0x5f: {  	[sflag:s28] =	ssyncadd.s32 $0xFFFFF000  }
0x60: {  	[hbm4b:s13+s3] =	stream.linear.scatter [tilespmem:s26], [sflag:$0x2], $0x1000, $0x38;
	[tilespmem:$0x1500] =	vst v63  }
0x61: {  	_ =	swait.ge [sflag:s25], $0x1000  }
0x62: {  	[sflag:s25] =	ssyncset.done $0x0  }
0x63: {  	[sflag:s25] =	ssyncadd.s32 $0xFFFFF000  }
0x64: {  	[tilespmem:s3], [sflag:$0x2] =	stream.linear.gather [hbm4b:s14+s3], $0x80, $0x38;
	[tilespmem:$0x1500] =	vst v63  }
0x65: {  	_ =	swait.ge [sflag:s25], $0x80  }
0x66: {  	[sflag:s25] =	ssyncset.done $0x0  }
0x67: {  	[sflag:s25] =	ssyncadd.s32 $0xFFFFFF80  }
0x68: {  	[tilespmem:s26], [sflag:$0x1] =	stream.indirect.gather [hbm4b:s4+s26], $0x20, s3, s26, $0xb8;
	[tilespmem:$0x1500] =	vst v63  }
0x69: {  	_ =	swait.ge [sflag:s28], $0x1000  }
0x6a: {  	[sflag:s28] =	ssyncset.done $0x0  }
0x6b: {  	[sflag:s28] =	ssyncadd.s32 $0xFFFFF000  }
0x6c: {  	[hbm4b:s15+s3] =	stream.linear.scatter [tilespmem:s26], [sflag:$0x2], $0x1000, $0x38;
	[tilespmem:$0x1500] =	vst v63  }
0x6d: {  	_ =	swait.ge [sflag:s25], $0x1000  }
0x6e: {  	[sflag:s25] =	ssyncset.done $0x0  }
0x6f: {  	[sflag:s25] =	ssyncadd.s32 $0xFFFFF000  }
0x70: {  	[tilespmem:s3], [sflag:$0x2] =	stream.linear.gather [hbm4b:s16+s3], $0x80, $0x38;
	[tilespmem:$0x1500] =	vst v63  }
0x71: {  	_ =	swait.ge [sflag:s25], $0x80  }
0x72: {  	[sflag:s25] =	ssyncset.done $0x0  }
0x73: {  	[sflag:s25] =	ssyncadd.s32 $0xFFFFFF80  }
0x74: {  	[tilespmem:s26], [sflag:$0x1] =	stream.indirect.gather [hbm4b:s4+s26], $0x20, s3, s26, $0xb8;
	[tilespmem:$0x1500] =	vst v63  }
0x75: {  	_ =	swait.ge [sflag:s28], $0x1000  }
0x76: {  	[sflag:s28] =	ssyncset.done $0x0  }
.Ltmp2:
0x77: {  	[sflag:s28] =	ssyncadd.s32 $0xFFFFF000;
	(pc) =	sbr.rel @p0 .LBB2_3-.Ltmp2, $4  }
0x78: {  	[hbm4b:s17+s3] =	stream.linear.scatter [tilespmem:s26], [sflag:$0x2], $0x1000, $0x38;
	[tilespmem:$0x1500] =	vst v63  }
0x79: {  	_ =	swait.ge [sflag:s25], $0x1000  }
0x7a: {  	[sflag:s25] =	ssyncset.done $0x0  }
0x7b: {  	[sflag:s25] =	ssyncadd.s32 $0xFFFFF000  }
0x7c: {  	[tilespmem:s3], [sflag:$0x2] =	stream.linear.gather [hbm4b:s6+s3], $0x80, $0x38;
	[tilespmem:$0x1500] =	vst v63  }
0x7d: {  	_ =	swait.ge [sflag:s25], $0x80  }
0x7e: {  	[sflag:s25] =	ssyncset.done $0x0  }
0x7f: {  	[sflag:s25] =	ssyncadd.s32 $0xFFFFFF80  }
0x80: {  	[spmem:s1] =	stream.indirect.scatter.add.f32 [tilespmem:s29], [sflag:$0x2], $0x1, s3, s26, $0xb8;
	[tilespmem:$0x1500] =	vst v63  }
0x81: {  	_ =	swait.ge [sflag:s25], $0x80  }
0x82: {  	[sflag:s25] =	ssyncset.done $0x0  }
0x83: {  	[sflag:s25] =	ssyncadd.s32 $0xFFFFFF80  }
0x84: {  	[tilespmem:s3], [sflag:$0x2] =	stream.linear.gather [hbm4b:s18+s3], $0x80, $0x38;
	[tilespmem:$0x1500] =	vst v63  }
0x85: {  	_ =	swait.ge [sflag:s25], $0x80  }
0x86: {  	[sflag:s25] =	ssyncset.done $0x0  }
0x87: {  	[sflag:s25] =	ssyncadd.s32 $0xFFFFFF80  }
0x88: {  	[spmem:s1] =	stream.indirect.scatter.add.f32 [tilespmem:s29], [sflag:$0x2], $0x1, s3, s26, $0xb8;
	[tilespmem:$0x1500] =	vst v63  }
0x89: {  	_ =	swait.ge [sflag:s25], $0x80  }
0x8a: {  	[sflag:s25] =	ssyncset.done $0x0  }
0x8b: {  	[sflag:s25] =	ssyncadd.s32 $0xFFFFFF80  }
0x8c: {  	[tilespmem:s3], [sflag:$0x2] =	stream.linear.gather [hbm4b:s19+s3], $0x80, $0x38;
	[tilespmem:$0x1500] =	vst v63  }
0x8d: {  	_ =	swait.ge [sflag:s25], $0x80  }
0x8e: {  	[sflag:s25] =	ssyncset.done $0x0  }
0x8f: {  	[sflag:s25] =	ssyncadd.s32 $0xFFFFFF80  }
0x90: {  	[spmem:s1] =	stream.indirect.scatter.add.f32 [tilespmem:s29], [sflag:$0x2], $0x1, s3, s26, $0xb8;
	[tilespmem:$0x1500] =	vst v63  }
0x91: {  	_ =	swait.ge [sflag:s25], $0x80  }
0x92: {  	[sflag:s25] =	ssyncset.done $0x0  }
0x93: {  	[sflag:s25] =	ssyncadd.s32 $0xFFFFFF80  }
0x94: {  	[tilespmem:s3], [sflag:$0x2] =	stream.linear.gather [hbm4b:s20+s3], $0x80, $0x38;
	[tilespmem:$0x1500] =	vst v63  }
0x95: {  	_ =	swait.ge [sflag:s25], $0x80  }
0x96: {  	[sflag:s25] =	ssyncset.done $0x0  }
0x97: {  	[sflag:s25] =	ssyncadd.s32 $0xFFFFFF80  }
0x98: {  	[spmem:s1] =	stream.indirect.scatter.add.f32 [tilespmem:s29], [sflag:$0x2], $0x1, s3, s26, $0xb8;
	[tilespmem:$0x1500] =	vst v63  }
0x99: {  	_ =	swait.ge [sflag:s25], $0x80  }
0x9a: {  	[sflag:s25] =	ssyncset.done $0x0  }
0x9b: {  	[sflag:s25] =	ssyncadd.s32 $0xFFFFFF80  }
0x9c: {  	[tilespmem:s3], [sflag:$0x2] =	stream.linear.gather [hbm4b:s21+s3], $0x80, $0x38;
	[tilespmem:$0x1500] =	vst v63  }
0x9d: {  	_ =	swait.ge [sflag:s25], $0x80  }
0x9e: {  	[sflag:s25] =	ssyncset.done $0x0  }
0x9f: {  	[sflag:s25] =	ssyncadd.s32 $0xFFFFFF80  }
0xa0: {  	[spmem:s1] =	stream.indirect.scatter.add.f32 [tilespmem:s29], [sflag:$0x2], $0x1, s3, s26, $0xb8;
	[tilespmem:$0x1500] =	vst v63  }
0xa1: {  	_ =	swait.ge [sflag:s25], $0x80  }
0xa2: {  	[sflag:s25] =	ssyncset.done $0x0  }
0xa3: {  	[sflag:s25] =	ssyncadd.s32 $0xFFFFFF80  }
0xa4: {  	[tilespmem:s3], [sflag:$0x2] =	stream.linear.gather [hbm4b:s22+s3], $0x80, $0x38;
	[tilespmem:$0x1500] =	vst v63  }
0xa5: {  	_ =	swait.ge [sflag:s25], $0x80  }
0xa6: {  	[sflag:s25] =	ssyncset.done $0x0  }
0xa7: {  	[sflag:s25] =	ssyncadd.s32 $0xFFFFFF80  }
0xa8: {  	[spmem:s1] =	stream.indirect.scatter.add.f32 [tilespmem:s29], [sflag:$0x2], $0x1, s3, s26, $0xb8;
	[tilespmem:$0x1500] =	vst v63  }
0xa9: {  	_ =	swait.ge [sflag:s25], $0x80  }
0xaa: {  	[sflag:s25] =	ssyncset.done $0x0  }
0xab: {  	[sflag:s25] =	ssyncadd.s32 $0xFFFFFF80  }
0xac: {  	[tilespmem:s3], [sflag:$0x2] =	stream.linear.gather [hbm4b:s23+s3], $0x80, $0x38;
	[tilespmem:$0x1500] =	vst v63  }
0xad: {  	_ =	swait.ge [sflag:s25], $0x80  }
0xae: {  	[sflag:s25] =	ssyncset.done $0x0  }
0xaf: {  	[sflag:s25] =	ssyncadd.s32 $0xFFFFFF80  }
0xb0: {  	[spmem:s1] =	stream.indirect.scatter.add.f32 [tilespmem:s29], [sflag:$0x2], $0x1, s3, s26, $0xb8;
	[tilespmem:$0x1500] =	vst v63  }
0xb1: {  	_ =	swait.ge [sflag:s25], $0x80  }
0xb2: {  	[sflag:s25] =	ssyncset.done $0x0  }
0xb3: {  	[sflag:s25] =	ssyncadd.s32 $0xFFFFFF80  }
0xb4: {  	[tilespmem:s3], [sflag:$0x2] =	stream.linear.gather [hbm4b:s24+s3], $0x80, $0x38;
	[tilespmem:$0x1500] =	vst v63  }
0xb5: {  	_ =	swait.ge [sflag:s25], $0x80  }
0xb6: {  	[sflag:s25] =	ssyncset.done $0x0  }
0xb7: {  	[sflag:s25] =	ssyncadd.s32 $0xFFFFFF80  }
0xb8: {  	[spmem:s1] =	stream.indirect.scatter.add.f32 [tilespmem:s29], [sflag:$0x2], $0x1, s3, s26, $0xb8;
	[tilespmem:$0x1500] =	vst v63  }
0xb9: {  	_ =	swait.ge [sflag:s25], $0x80  }
0xba: {  	[sflag:s25] =	ssyncset.done $0x0  }
0xbb: {  	s30 =	sor.u32 $0x1C02, s7;
	[sflag:s25] =	ssyncadd.s32 $0xFFFFFF80  }
.Ltmp3:
0xbc: {  	s31 =	sshrl.u32 s5, $0x3;
	[bflag:$0x0] =	sbarrier.arrive $0xFFFF;
	(pc) =	sbr.rel .LBB2_4-.Ltmp3, $4  }
0xbd: {  	[hbm:s8], [sflag:s30] =	dma.local [spmem:s31], $0x40  }
0xbe: {  	_ =	swait.ge [sflag:s25], $0x40  }
0xbf: {  	[sflag:s25] =	ssyncset.done $0x0  }
0xc0: {  	[sflag:s25] =	ssyncadd.s32 $0xFFFFFFC0  }
.LBB2_5:
0xc1: {  	_ =	sfence.sel $0x180000  }
0xc2: {  	[bflag:$0x0] =	sbarrier.arrive $0xFFFF  }
0xc3: {  	p0 =	sne.s32 s2, $0x0;
	_ =	strace $0x90000047  }
0xc4: {  	s0 =	sadd.s32 @!p0 $0x100000, s0;
	[bflag:$0x2] =	sbarrier.arrive $0xFFFF  }
0xc5: {  	[sflag:s0] =	ssyncadd.tile.s32 @!p0 $0x1;
	_ =	shalt  }
.Lfunc_end2:
_tile_overlayer_lowered:
.L_overlay_start_2:
0xc6: {  	(tag) =	ssettag $0x2  }
0xc7: {  	s0 =	rddreg [dreg:$0x0];
	s2 =	stileid.u32  }
0xc8: {  	s1 =	rddreg [dreg:$0x1];
	p0 =	sne.s32 s2, $0x0  }
0xc9: {  	s3 =	rddreg [dreg:$0x2];
	[bflag:$0x3] =	sbarrier.arrive $0xFFFF;
	s2 =	simm.s32 @!p0 $0x1C02  }
0xca: {  	[timem:s3], [sflag:s2] =	dma.local @!p0 [hbm:s0], s1  }
0xcb: {  	s0 =	simm.s32 @!p0 $0x2  }
0xcc: {  	_ =	swait.ge @!p0 [sflag:s0], s1  }
0xcd: {  	s1 =	ssub.s32 @!p0 $0x0, s1;
	[sflag:s0] =	ssyncset.done @!p0 $0x0  }
0xce: {  	[sflag:s0] =	ssyncadd.s32 @!p0 s1  }
0xcf: {  	[bflag:$0x3] =	sbarrier.arrive $0xFFFF  }
0xd0: {  	_ =	shalt  }

</sc_bundles>
